<compile_context>
chip_gen: v7x
topology: tpu7x:2x2x1
jax: 0.10.2.dev20260603
libtpu: 0.0.44.dev20260713+nightly
codegen_flags: <defaults>
</compile_context>

<pallas_src>
import functools

import jax
import jax.numpy as jnp
import numpy as np
from jax import lax
from jax.experimental import pallas as pl
from jax.experimental.pallas import tpu as pltpu
from jax.experimental.pallas import tpu_sc as plsc


def _sc_gather_kernel(labels_hbm, starts_hbm, w_hbm, out_hbm,
                      starts_v, labv, rows_v, sem):
    wid = (lax.axis_index("c") == 0) & (lax.axis_index("s") == 0)

    @pl.when(wid)
    def _():
        pltpu.sync_copy(starts_hbm, starts_v)
        pltpu.async_copy(labels_hbm.at[starts_v], labv, sem).wait()
        pltpu.async_copy(w_hbm.at[labv], rows_v, sem).wait()
        pltpu.sync_copy(rows_v, out_hbm)


def _gather_bag_embeddings(labels, starts, W):
    B = starts.shape[0]
    C, H = W.shape
    mesh = plsc.VectorSubcoreMesh(core_axis_name="c", subcore_axis_name="s")
    k = functools.partial(
        pl.kernel,
        mesh=mesh,
        out_type=jax.ShapeDtypeStruct((B, H), jnp.float32),
        scratch_types=[
            pltpu.VMEM((B,), jnp.int32),
            pltpu.VMEM((B,), jnp.int32),
            pltpu.VMEM((B, H), jnp.float32),
            pltpu.SemaphoreType.DMA,
        ],
    )(_sc_gather_kernel)
    return k(labels, starts, W)


def _att_bag_kernel(x_ref, wbag_ref, w_ref, b_ref, repre_ref, logits_ref):
    H = w_ref.shape[1]
    C = w_ref.shape[0]
    w = wbag_ref[...].reshape(1, H)
    x = x_ref[...]
    logit = jax.lax.dot_general(
        x, w, (((1,), (1,)), ((), ())), preferred_element_type=jnp.float32
    )
    m = jnp.max(logit)
    p = jnp.exp(logit - m)
    s = jnp.sum(p)
    acc = jax.lax.dot_general(
        p, x, (((0,), (0,)), ((), ())), preferred_element_type=jnp.float32
    )
    repre = acc * (1.0 / s)
    repre_ref[...] = repre.reshape(1, 1, H)
    row = jax.lax.dot_general(
        repre, w_ref[...], (((1,), (1,)), ((), ())),
        preferred_element_type=jnp.float32,
    ) + b_ref[...]
    logits_ref[...] = row.reshape(1, 1, C)


def kernel(x, labels, scopes, W, b):
    N, H = x.shape
    C = W.shape[0]
    B = scopes.shape[0]
    L = N // B

    starts = jnp.asarray(scopes)[:, 0].astype(jnp.int32)
    w_bag = _gather_bag_embeddings(labels.astype(jnp.int32), starts, W)
    b2 = b.reshape(1, C)

    repre3, logits3 = pl.pallas_call(
        _att_bag_kernel,
        grid=(B,),
        in_specs=[
            pl.BlockSpec((L, H), lambda i: (i, 0)),
            pl.BlockSpec((1, 1, H), lambda i: (i, 0, 0)),
            pl.BlockSpec((C, H), lambda i: (0, 0)),
            pl.BlockSpec((1, C), lambda i: (0, 0)),
        ],
        out_specs=[
            pl.BlockSpec((1, 1, H), lambda i: (i, 0, 0)),
            pl.BlockSpec((1, 1, C), lambda i: (i, 0, 0)),
        ],
        out_shape=[
            jax.ShapeDtypeStruct((B, 1, H), jnp.float32),
            jax.ShapeDtypeStruct((B, 1, C), jnp.float32),
        ],
        compiler_params=pltpu.CompilerParams(
            dimension_semantics=("parallel",)
        ),
    )(x, w_bag.reshape(B, 1, H), W, b2)
    return (repre3.reshape(B, H), logits3.reshape(B, C))

# --- scband reference (transcript-rebuilt; emitter-appended) ---
"""Pipeline reference for scband-att-13211319402810 (READ-ONLY COPY).

The authoritative reference and input builder live on the scoring server;
editing this copy changes nothing except your own understanding.
"""

import jax, jax.numpy as jnp
import numpy as np

B = 16
L = 2048  # tokens per bag (total_tokens = B*L = 32768 = 16*4096/2)
N = B * L
H = 1024
C = 53


def setup_inputs(seed: int = 0) -> dict:
    key = jax.random.key(seed)
    k_x, k_lab, k_w = jax.random.split(key, 3)
    x = jax.random.normal(k_x, (N, H), dtype=jnp.float32)
    labels = jax.random.randint(k_lab, (N,), 0, C)
    # scopes: contiguous equal-size bag partition of [0, N) (static numpy so slicing is concrete)
    starts = np.arange(B, dtype=np.int64) * L
    scopes = np.stack([starts, starts + L], axis=1)
    W = jax.random.normal(k_w, (C, H), dtype=jnp.float32) * 0.02
    b = jnp.zeros((C,), dtype=jnp.float32)
    return {"x": x, "labels": labels, "scopes": scopes, "W": W, "b": b}


def reference(x, labels, scopes, W, b):
    # training-path of ATT.forward
    # query[scope[0]:scope[1]] = labels[scope[0]]
    num_bags = scopes.shape[0]
    bag_len = x.shape[0] // num_bags
    bag_labels = jnp.take(labels, scopes[:, 0], axis=0)  # [B]
    query = jnp.repeat(bag_labels, bag_len, axis=0)  # [N]
    relation_query = jnp.take(W, query, axis=0)  # [N, H]
    attention_logit = jnp.sum(x * relation_query, axis=1, keepdims=True)  # [N, 1]
    sen_matrix = x.reshape(num_bags, bag_len, x.shape[1])  # [B, len, H]
    attention_score = jax.nn.softmax(
        attention_logit.reshape(num_bags, 1, bag_len), axis=-1
    )  # [B, 1, len]
    stack_repre = jnp.matmul(attention_score, sen_matrix).squeeze(1)  # [B, H]
    logits = stack_repre @ W.T + b  # [B, C]
    return (stack_repre, logits)

if __name__ == "__main__":
    import jax
    _d = setup_inputs()
    print(jax.jit(kernel)(*tuple(_d.values())))

</pallas_src>

<mosaic_0001>
#map = affine_map<(d0, d1) -> (0)>
#map1 = affine_map<(d0, d1) -> (0, 0)>
module attributes {stable_mosaic.version = 14 : i64} {
  func.func @_sc_gather_kernel(%arg0: i32, %arg1: i32, %arg2: memref<32768xi32, #tpu.memory_space<hbm>>, %arg3: memref<16xi32, #tpu.memory_space<hbm>>, %arg4: memref<53x1024xf32, #tpu.memory_space<hbm>>, %arg5: memref<16x1024xf32, #tpu.memory_space<hbm>>, %arg6: memref<16xi32, #tpu.memory_space<vmem>>, %arg7: memref<16xi32, #tpu.memory_space<vmem>>, %arg8: memref<16x1024xf32, #tpu.memory_space<vmem>>, %arg9: memref<!tpu.dma_semaphore, #tpu.memory_space<semaphore_mem>>) attributes {dimension_semantics = [#tpu.dimension_semantics<core_parallel>, #tpu.dimension_semantics<subcore_parallel>], iteration_bounds = array<i64: 2, 16>, scalar_prefetch = 0 : i64, scratch_operands = 4 : i64, tpu.core_type = #tpu.core_type<sc_vector_subcore>, window_params = [{transform_indices = #map}, {transform_indices = #map}, {transform_indices = #map1}, {transform_indices = #map1}]} {
    %eq3A = arith.constant 0 : i32
    %eq3A_0 = arith.cmpi eq, %arg0, %eq3A : i32
    %eq3A_1 = arith.constant 0 : i32
    %eq3A_2 = arith.cmpi eq, %arg1, %eq3A_1 : i32
    %and3A = arith.andi %eq3A_0, %eq3A_2 : i1
    %convert_element_type3A = arith.extui %and3A : i1 to i32
    %cond3A = arith.constant 0 : i32
    %cond3A_3 = arith.cmpi ne, %convert_element_type3A, %cond3A : i32
    scf.if %cond3A_3 {
      "tpu.region"() ({
        %run_scoped3A = tpu.sem_alloc : memref<!tpu.dma_semaphore, #tpu.memory_space<semaphore_mem>>
        tpu.enqueue_dma source(%arg3 : memref<16xi32, #tpu.memory_space<hbm>>) target(%arg6 : memref<16xi32, #tpu.memory_space<vmem>>) target_semaphore(%run_scoped3A : memref<!tpu.dma_semaphore, #tpu.memory_space<semaphore_mem>>)
        tpu.wait_dma2 semaphore(%run_scoped3A : memref<!tpu.dma_semaphore, #tpu.memory_space<semaphore_mem>>) src(%arg3 : memref<16xi32, #tpu.memory_space<hbm>>) dst(%arg6 : memref<16xi32, #tpu.memory_space<vmem>>)
        tpu.yield
      }) : () -> ()
      %dma_start3A = arith.constant 0 : i32
      %dma_start3A_4 = tpu.memref_slice %arg2[%dma_start3A] : memref<32768xi32, #tpu.memory_space<hbm>> -> memref<32768xi32, #tpu.memory_space<hbm>>
      tpu.enqueue_indirect_dma source(%dma_start3A_4 : memref<32768xi32, #tpu.memory_space<hbm>>) target(%arg7 : memref<16xi32, #tpu.memory_space<vmem>>) offsets(%arg6 : memref<16xi32, #tpu.memory_space<vmem>>) semaphore(%arg9 : memref<!tpu.dma_semaphore, #tpu.memory_space<semaphore_mem>>)
      %dma_wait3A = arith.constant 0 : i32
      %dma_wait3A_5 = tpu.memref_slice %arg2[%dma_wait3A] : memref<32768xi32, #tpu.memory_space<hbm>> -> memref<32768xi32, #tpu.memory_space<hbm>>
      tpu.wait_indirect_dma semaphore(%arg9 : memref<!tpu.dma_semaphore, #tpu.memory_space<semaphore_mem>>) src(%dma_wait3A_5 : memref<32768xi32, #tpu.memory_space<hbm>>) dst(%arg7 : memref<16xi32, #tpu.memory_space<vmem>>)
      %dma_start3A_6 = arith.constant 0 : i32
      %dma_start3A_7 = arith.constant 0 : i32
      %dma_start3A_8 = tpu.memref_slice %arg4[%dma_start3A_6, %dma_start3A_7] : memref<53x1024xf32, #tpu.memory_space<hbm>> -> memref<53x1024xf32, #tpu.memory_space<hbm>>
      tpu.enqueue_indirect_dma source(%dma_start3A_8 : memref<53x1024xf32, #tpu.memory_space<hbm>>) target(%arg8 : memref<16x1024xf32, #tpu.memory_space<vmem>>) offsets(%arg7 : memref<16xi32, #tpu.memory_space<vmem>>) semaphore(%arg9 : memref<!tpu.dma_semaphore, #tpu.memory_space<semaphore_mem>>)
      %dma_wait3A_9 = arith.constant 0 : i32
      %dma_wait3A_10 = arith.constant 0 : i32
      %dma_wait3A_11 = tpu.memref_slice %arg4[%dma_wait3A_9, %dma_wait3A_10] : memref<53x1024xf32, #tpu.memory_space<hbm>> -> memref<53x1024xf32, #tpu.memory_space<hbm>>
      tpu.wait_indirect_dma semaphore(%arg9 : memref<!tpu.dma_semaphore, #tpu.memory_space<semaphore_mem>>) src(%dma_wait3A_11 : memref<53x1024xf32, #tpu.memory_space<hbm>>) dst(%arg8 : memref<16x1024xf32, #tpu.memory_space<vmem>>)
      "tpu.region"() ({
        %run_scoped3A = tpu.sem_alloc : memref<!tpu.dma_semaphore, #tpu.memory_space<semaphore_mem>>
        tpu.enqueue_dma source(%arg8 : memref<16x1024xf32, #tpu.memory_space<vmem>>) target(%arg5 : memref<16x1024xf32, #tpu.memory_space<hbm>>) target_semaphore(%run_scoped3A : memref<!tpu.dma_semaphore, #tpu.memory_space<semaphore_mem>>)
        tpu.wait_dma2 semaphore(%run_scoped3A : memref<!tpu.dma_semaphore, #tpu.memory_space<semaphore_mem>>) src(%arg8 : memref<16x1024xf32, #tpu.memory_space<vmem>>) dst(%arg5 : memref<16x1024xf32, #tpu.memory_space<hbm>>)
        tpu.yield
      }) : () -> ()
    } else {
    }
    return
  }
}

module attributes {stable_mosaic.version = 14 : i64} {
  func.func @_att_bag_kernel(%arg0: i32, %arg1: memref<2048x1024xf32, #tpu.memory_space<vmem>>, %arg2: memref<1x1x1024xf32, #tpu.memory_space<vmem>>, %arg3: memref<53x1024xf32, #tpu.memory_space<vmem>>, %arg4: memref<1x53xf32, #tpu.memory_space<vmem>>, %arg5: memref<1x1x1024xf32, #tpu.memory_space<vmem>>, %arg6: memref<1x1x53xf32, #tpu.memory_space<vmem>>) attributes {dimension_semantics = [#tpu.dimension_semantics<parallel>], iteration_bounds = array<i64: 16>, scalar_prefetch = 0 : i64, scratch_operands = 0 : i64, tpu.core_type = #tpu.core_type<tc>, window_params = [{transform_indices = @transform_0, window_bounds = array<i64: 2048, 1024>}, {transform_indices = @transform_1, window_bounds = array<i64: 1, 1, 1024>}, {pipeline_mode = #tpu.pipeline_mode<synchronous>, transform_indices = @transform_2, window_bounds = array<i64: 53, 1024>}, {pipeline_mode = #tpu.pipeline_mode<synchronous>, transform_indices = @transform_3, window_bounds = array<i64: 1, 53>}, {transform_indices = @transform_4, window_bounds = array<i64: 1, 1, 1024>}, {transform_indices = @transform_5, window_bounds = array<i64: 1, 1, 53>}]} {
    %get3A = arith.constant 0 : index
    %get3A_0 = arith.constant 0 : index
    %get3A_1 = arith.constant 0 : index
    %get3A_2 = vector.load %arg2[%get3A, %get3A_0, %get3A_1] : memref<1x1x1024xf32, #tpu.memory_space<vmem>>, vector<1x1x1024xf32>
    %reshape3A = vector.shape_cast %get3A_2 : vector<1x1x1024xf32> to vector<1x1024xf32>
    %get3A_3 = arith.constant 0 : index
    %get3A_4 = arith.constant 0 : index
    %get3A_5 = vector.load %arg1[%get3A_3, %get3A_4] : memref<2048x1024xf32, #tpu.memory_space<vmem>>, vector<2048x1024xf32>
    %dot_general3A = arith.constant dense<0.000000e+00> : vector<2048x1xf32>
    %dot_general3A_6 = tpu.matmul %get3A_5, %reshape3A, %dot_general3A {dimension_numbers = #tpu.dot_dimension_numbers<[1], [1], [0], [0], [0, 0, 1, 0], [], []>, transpose_lhs_hint = false} : vector<2048x1024xf32>, vector<1x1024xf32>, vector<2048x1xf32> -> vector<2048x1xf32>
    %reduce_max3A = vector.shape_cast %dot_general3A_6 : vector<2048x1xf32> to vector<1x2048x1xf32>
    %reduce_max3A_7 = arith.constant dense<0xFF800000> : vector<1xf32>
    %reduce_max3A_8 = vector.multi_reduction <maximumf>, %reduce_max3A, %reduce_max3A_7 [1, 2] : vector<1x2048x1xf32> to vector<1xf32>
    %reduce_max3A_9 = vector.shape_cast %reduce_max3A_8 : vector<1xf32> to vector<1x1x1xf32>
    %reduce_max3A_10 = vector.extract %reduce_max3A_9[0, 0, 0] : f32 from vector<1x1x1xf32>
    %sub3A = vector.broadcast %reduce_max3A_10 : f32 to vector<2048x1xf32>
    %sub3A_11 = arith.subf %dot_general3A_6, %sub3A : vector<2048x1xf32>
    %exp3A = math.exp %sub3A_11 : vector<2048x1xf32>
    %reduce_sum3A = vector.shape_cast %exp3A : vector<2048x1xf32> to vector<1x2048x1xf32>
    %reduce_sum3A_12 = arith.constant dense<0.000000e+00> : vector<1xf32>
    %reduce_sum3A_13 = vector.multi_reduction <add>, %reduce_sum3A, %reduce_sum3A_12 [1, 2] : vector<1x2048x1xf32> to vector<1xf32>
    %reduce_sum3A_14 = vector.shape_cast %reduce_sum3A_13 : vector<1xf32> to vector<1x1x1xf32>
    %reduce_sum3A_15 = vector.extract %reduce_sum3A_14[0, 0, 0] : f32 from vector<1x1x1xf32>
    %dot_general3A_16 = arith.constant dense<0.000000e+00> : vector<1x1024xf32>
    %dot_general3A_17 = tpu.matmul %exp3A, %get3A_5, %dot_general3A_16 {dimension_numbers = #tpu.dot_dimension_numbers<[0], [0], [1], [1], [0, 1, 1, 1], [], []>, transpose_lhs_hint = false} : vector<2048x1xf32>, vector<2048x1024xf32>, vector<1x1024xf32> -> vector<1x1024xf32>
    %div3A = arith.constant 1.000000e+00 : f32
    %div3A_18 = arith.divf %div3A, %reduce_sum3A_15 : f32
    %mul3A = vector.broadcast %div3A_18 : f32 to vector<1x1024xf32>
    %mul3A_19 = arith.mulf %dot_general3A_17, %mul3A : vector<1x1024xf32>
    %reshape3A_20 = vector.shape_cast %mul3A_19 : vector<1x1024xf32> to vector<1x1x1024xf32>
    %swap3A = arith.constant 0 : index
    %swap3A_21 = arith.constant 0 : index
    %swap3A_22 = arith.constant 0 : index
    %swap3A_23 = vector.load %arg5[%swap3A, %swap3A_21, %swap3A_22] : memref<1x1x1024xf32, #tpu.memory_space<vmem>>, vector<1x1x1024xf32>
    tpu.vector_store %arg5[%swap3A, %swap3A_21, %swap3A_22], %reshape3A_20 {strides = array<i32>} : memref<1x1x1024xf32, #tpu.memory_space<vmem>>, vector<1x1x1024xf32>,
    %get3A_24 = arith.constant 0 : index
    %get3A_25 = arith.constant 0 : index
    %get3A_26 = vector.load %arg3[%get3A_24, %get3A_25] : memref<53x1024xf32, #tpu.memory_space<vmem>>, vector<53x1024xf32>
    %dot_general3A_27 = arith.constant dense<0.000000e+00> : vector<1x53xf32>
    %dot_general3A_28 = tpu.matmul %mul3A_19, %get3A_26, %dot_general3A_27 {dimension_numbers = #tpu.dot_dimension_numbers<[1], [1], [0], [0], [0, 0, 1, 0], [], []>, transpose_lhs_hint = false} : vector<1x1024xf32>, vector<53x1024xf32>, vector<1x53xf32> -> vector<1x53xf32>
    %get3A_29 = arith.constant 0 : index
    %get3A_30 = arith.constant 0 : index
    %get3A_31 = vector.load %arg4[%get3A_29, %get3A_30] : memref<1x53xf32, #tpu.memory_space<vmem>>, vector<1x53xf32>
    %add3A = arith.addf %dot_general3A_28, %get3A_31 : vector<1x53xf32>
    %reshape3A_32 = vector.shape_cast %add3A : vector<1x53xf32> to vector<1x1x53xf32>
    %swap3A_33 = arith.constant 0 : index
    %swap3A_34 = arith.constant 0 : index
    %swap3A_35 = arith.constant 0 : index
    %swap3A_36 = vector.load %arg6[%swap3A_33, %swap3A_34, %swap3A_35] : memref<1x1x53xf32, #tpu.memory_space<vmem>>, vector<1x1x53xf32>
    tpu.vector_store %arg6[%swap3A_33, %swap3A_34, %swap3A_35], %reshape3A_32 {strides = array<i32>} : memref<1x1x53xf32, #tpu.memory_space<vmem>>, vector<1x1x53xf32>,
    return
  }
  func.func @transform_0(%arg0: i32) -> (i32, i32) {
    %c0_i32 = arith.constant 0 : i32
    %c0_i32_0 = arith.constant 0 : i32
    return %arg0, %c0_i32 : i32, i32
  }
  func.func @transform_1(%arg0: i32) -> (i32, i32, i32) {
    %c0_i32 = arith.constant 0 : i32
    %c0_i32_0 = arith.constant 0 : i32
    %c0_i32_1 = arith.constant 0 : i32
    return %arg0, %c0_i32, %c0_i32_0 : i32, i32, i32
  }
  func.func @transform_2(%arg0: i32) -> (i32, i32) {
    %c0_i32 = arith.constant 0 : i32
    %c0_i32_0 = arith.constant 0 : i32
    %c0_i32_1 = arith.constant 0 : i32
    return %c0_i32, %c0_i32_0 : i32, i32
  }
  func.func @transform_3(%arg0: i32) -> (i32, i32) {
    %c0_i32 = arith.constant 0 : i32
    %c0_i32_0 = arith.constant 0 : i32
    %c0_i32_1 = arith.constant 0 : i32
    return %c0_i32, %c0_i32_0 : i32, i32
  }
  func.func @transform_4(%arg0: i32) -> (i32, i32, i32) {
    %c0_i32 = arith.constant 0 : i32
    %c0_i32_0 = arith.constant 0 : i32
    %c0_i32_1 = arith.constant 0 : i32
    return %arg0, %c0_i32, %c0_i32_0 : i32, i32, i32
  }
  func.func @transform_5(%arg0: i32) -> (i32, i32, i32) {
    %c0_i32 = arith.constant 0 : i32
    %c0_i32_0 = arith.constant 0 : i32
    %c0_i32_1 = arith.constant 0 : i32
    return %arg0, %c0_i32, %c0_i32_0 : i32, i32, i32
  }
}

</mosaic_0001>

<sc_bundles>
// kernel: kernel.4.cloned.1.call-start
scs
__scs_entry_jumppad:
0x0: {  	(pc) =	sbr.rel $0x88, $3  }
0x1: {  	(tag) =	ssettag $0x0;
	lr =	simm.s32 $0x1  }
0x2: {  	[smem:$0x3F9C] =	sst lr;
	_ =	strace $0xD0000000  }
0x3: {  	_ = 	snop  }
0x4: {  	_ = 	snop  }
0x5: {  	_ = 	snop  }
0x6: {  	_ = 	snop  }
0x7: {  	_ = 	snop  }
__scs_overlays_trampoline_lowered:
0x8: {  	[smem:$0x3FAB] =	sst s0  }
0x9: {  	[smem:$0x3FAC] =	sst s1  }
0xa: {  	[smem:$0x3FAD] =	sst s2  }
0xb: {  	[smem:$0x3FAE] =	sst s3  }
0xc: {  	[smem:$0x3FAF] =	sst s4  }
0xd: {  	[smem:$0x3FB0] =	sst s5  }
0xe: {  	[smem:$0x3FB1] =	sst s6  }
0xf: {  	[smem:$0x3FB2] =	sst s7  }
0x10: {  	[smem:$0x3FB3] =	sst s8  }
0x11: {  	[smem:$0x3FB4] =	sst s9;
	s0 =	simm.s32 @!p0 $0x0  }
0x12: {  	s1 =	sld [smem:$0x3F9A];
	s0 =	simm.s32 @p0 $0x1  }
0x13: {  	[smem:$0x3FB5] =	sst s0;
	s0 =	simm.s32 @!p1 $0x0  }
0x14: {  	s2 =	sld [smem:$0x3F99];
	s0 =	simm.s32 @p1 $0x1  }
0x15: {  	[smem:$0x3FB6] =	sst s0;
	s0 =	simm.s32 @!p2 $0x0  }
0x16: {  	s3 =	sld [smem:$0x3FDB];
	s0 =	simm.s32 @p2 $0x1  }
0x17: {  	s4 =	simm.s32 $0x1BF5;
	[smem:$0x3FB8] =	sst s0  }
0x18: {  	s0 =	sld [smem:$0x3F9B];
	_ =	swait.ge [sflag:s4], $0x0  }
0x19: {  	s7 =	sld [smem:$0x3F9C]  }
0x1a: {  	s8 =	sadd.s32 $0xFFFFE003, lr  }
0x1b: {  	s9 =	sadd.s32 $0xFFFFFEF7, lr;
	s5 =	simm.s32 $0xFFFFFFFF;
	p2 =	slt.u32 s8, $0xFFFFF086  }
0x1c: {  	p1 =	slt.u32 s9, $0xF7A;
	s5 =	simm.s32 @!p2 $0x0  }
0x1d: {  	s5 =	simm.s32 @p1 $0x1;
	p0 =	seq.s32 s7, s2  }
0x1e: {  	s7 =	smul.u32 @!p0 $0xF7A, s2;
	p2 =	seq.s32 @!p0 s5, $0x0  }
0x1f: {  	s9 =	smul.u32 $0xF7A, s1;
	s8 =	simm.s32 @!p0 $0x1BF5;
	p2 =	por !p2, p0  }
0x20: {  	[sflag:s8] =	ssyncset.s32 @!p0 $0xFFFFF086;
	s6 =	sadd.s32 @!p0 s3, s7;
	s7 =	simm.s32 @!p0 $0x108  }
0x21: {  	s3 =	sadd.s32 s3, s9;
	s6 =	sadd.s32 @!p0 $0x88, s6;
	s7 =	simm.s32 @p2 $0x1082  }
0x22: {  	[simem:s7], [sflag:s8] =	dma.local @!p0 [hbm:s6], $0xF7A  }
0x23: {  	s9 =	sor.u32 $0xD0000000, s2;
	s6 =	simm.s32 $0x108;
	_ =	swait.ge @!p0 [sflag:s8], $0x0  }
0x24: {  	s3 =	sadd.s32 $0x88, s3;
	s6 =	simm.s32 @!p1 $0x1082;
	[sflag:s4] =	ssyncset.s32 $0xFFFFF086  }
0x25: {  	[simem:s6], [sflag:s4] =	dma.local [hbm:s3], $0xF7A  }
0x26: {  	[smem:$0x3F9C] =	sst s1;
	(tag) =	ssettag s2;
	_ =	strace s9  }
0x27: {  	s1 =	sld [smem:$0x3FAC]  }
0x28: {  	s2 =	sld [smem:$0x3FAD]  }
0x29: {  	s4 =	sld [smem:$0x3FAF]  }
0x2a: {  	p0 =	seq.s32 s5, $0x0;
	s5 =	sld [smem:$0x3FB0]  }
0x2b: {  	s6 =	sld [smem:$0x3FB1]  }
0x2c: {  	s7 =	sld [smem:$0x3FB2]  }
0x2d: {  	s3 =	simm.s32 $0x108;
	s8 =	sld [smem:$0x3FB3]  }
0x2e: {  	s3 =	simm.s32 @!p0 $0x1082;
	s9 =	sld [smem:$0x3FB4]  }
0x2f: {  	lr =	sadd.s32 s0, s3;
	s0 =	sld [smem:$0x3FAB]  }
0x30: {  	s3 =	sld [smem:$0x3FAE]  }
0x31: {  	[smem:$0x3FB7] =	sst s10  }
0x32: {  	s10 =	sld [smem:$0x3FB5];
	_ =	sdelay $0x3  }
0x33: {  	p0 =	seq.s32 s10, $0x1;
	s10 =	sld [smem:$0x3FB7];
	_ =	sdelay $0x3  }
0x34: {  	[smem:$0x3FB7] =	sst s10  }
0x35: {  	s10 =	sld [smem:$0x3FB6];
	_ =	sdelay $0x3  }
0x36: {  	p1 =	seq.s32 s10, $0x1;
	s10 =	sld [smem:$0x3FB7];
	_ =	sdelay $0x3  }
0x37: {  	[smem:$0x3FB7] =	sst s10  }
0x38: {  	s10 =	sld [smem:$0x3FB8]  }
0x39: {  	_ = 	snop;
	(pc) =	sbr.ind lr, $3  }
0x3a: {  	_ = 	snop  }
0x3b: {  	_ = 	snop  }
0x3c: {  	p2 =	seq.s32 s10, $0x1;
	s10 =	sld [smem:$0x3FB7]  }
0x3d: {  	_ =	shalt  }
0x3e: {  	_ =	shalt  }
0x3f: {  	_ =	shalt  }
0x40: {  	_ =	shalt  }
0x41: {  	_ =	shalt  }
0x42: {  	_ =	shalt  }
0x43: {  	_ =	shalt  }
0x44: {  	_ =	shalt  }
0x45: {  	_ =	shalt  }
0x46: {  	_ =	shalt  }
0x47: {  	_ =	shalt  }
0x48: {  	_ =	shalt  }
0x49: {  	_ =	shalt  }
0x4a: {  	_ =	shalt  }
0x4b: {  	_ =	shalt  }
0x4c: {  	_ =	shalt  }
0x4d: {  	_ =	shalt  }
0x4e: {  	_ =	shalt  }
0x4f: {  	_ =	shalt  }
0x50: {  	_ =	shalt  }
0x51: {  	_ =	shalt  }
0x52: {  	_ =	shalt  }
0x53: {  	_ =	shalt  }
0x54: {  	_ =	shalt  }
0x55: {  	_ =	shalt  }
0x56: {  	_ =	shalt  }
0x57: {  	_ =	shalt  }
0x58: {  	_ =	shalt  }
0x59: {  	_ =	shalt  }
0x5a: {  	_ =	shalt  }
0x5b: {  	_ =	shalt  }
0x5c: {  	_ =	shalt  }
0x5d: {  	_ =	shalt  }
0x5e: {  	_ =	shalt  }
0x5f: {  	_ =	shalt  }
0x60: {  	_ =	shalt  }
0x61: {  	_ =	shalt  }
0x62: {  	_ =	shalt  }
0x63: {  	_ =	shalt  }
0x64: {  	_ =	shalt  }
0x65: {  	_ =	shalt  }
0x66: {  	_ =	shalt  }
0x67: {  	_ =	shalt  }
0x68: {  	_ =	shalt  }
0x69: {  	_ =	shalt  }
0x6a: {  	_ =	shalt  }
0x6b: {  	_ =	shalt  }
0x6c: {  	_ =	shalt  }
0x6d: {  	_ =	shalt  }
0x6e: {  	_ =	shalt  }
0x6f: {  	_ =	shalt  }
0x70: {  	_ =	shalt  }
0x71: {  	_ =	shalt  }
0x72: {  	_ =	shalt  }
0x73: {  	_ =	shalt  }
0x74: {  	_ =	shalt  }
0x75: {  	_ =	shalt  }
0x76: {  	_ =	shalt  }
0x77: {  	_ =	shalt  }
0x78: {  	_ =	shalt  }
0x79: {  	_ =	shalt  }
0x7a: {  	_ =	shalt  }
0x7b: {  	_ =	shalt  }
0x7c: {  	_ =	shalt  }
0x7d: {  	_ =	shalt  }
0x7e: {  	_ =	shalt  }
0x7f: {  	_ =	shalt  }
0x80: {  	_ =	shalt  }
0x81: {  	_ =	shalt  }
0x82: {  	_ =	shalt  }
0x83: {  	_ =	shalt  }
0x84: {  	_ =	shalt  }
0x85: {  	_ =	shalt  }
0x86: {  	_ =	shalt  }
0x87: {  	_ =	shalt  }
.Lfunc_end0:
.L_simem_size_0:
called_computation_lowered:
.L_overlay_start_0:
0x88: {  	s2 =	sld [smem:$0x3FD9]  }
0x89: {  	s3 =	sld [smem:$0x3FFE];
	_ =	sdelay $0x1  }
0x8a: {  	s1 =	srdreg.scid  }
0x8b: {  	s0 =	sand.u32 $0x1, s1  }
0x8c: {  	s15 =	sshll.u32 s0, $0xA;
	s2 =	sadd.s32 s3, s2  }
0x8d: {  	s2 =	sadd.s32 s2, s15  }
0x8e: {  	[smem:$0x3FC3] =	sst s2  }
0x8f: {  	_ = 	snop  }
0x90: {  	s2 =	sld [smem:$0x3FD0];
	_ =	sdelay $0x1  }
0x91: {  	s16 =	sld [smem:$0x3FC8]  }
0x92: {  	s5 =	simm.s32 $0xA;
	s6 =	simm.s32 $0x10;
	s4 =	sld [smem:$0x3FC6]  }
0x93: {  	[smem:s6], [sflag:s5] =	dma.local [hbm:s2], $0x1  }
0x94: {  	_ =	swait.eq [sflag:s5], $0x1  }
0x95: {  	[sflag:s5] =	ssyncset.done $0x0  }
0x96: {  	s17 =	sld [smem:$0x10];
	[sflag:s5] =	ssyncadd.s32 $0xFFFFFFFF  }
0x97: {  	s18 =	sld [smem:$0x11];
	(tm) =	ssettm $0x1  }
0x98: {  	s19 =	sld [smem:$0x3FFB];
	_ =	sdelay $0x3  }
0x99: {  	_ =	strace s19  }
0x9a: {  	s6 =	sld [smem:$0x3FFC];
	_ =	sdelay $0x3  }
0x9b: {  	_ =	strace s6  }
0x9c: {  	s6 =	sld [smem:$0x3FFD];
	_ =	sdelay $0x3  }
0x9d: {  	_ =	strace s6  }
0x9e: {  	_ =	strace $0x8FFFFFFF  }
0x9f: {  	s20 =	sld [smem:$0x3FDB];
	_ =	sdelay $0x1  }
0xa0: {  	s7 =	simm.s32 $_scs_section_size  }
0xa1: {  	s8 =	simm.s32 $_size__tile_overlayer_lowered;
	s9 =	simm.s32 $_tile_overlayer_lowered  }
0xa2: {  	s23 =	simm.s32 $0x1BFF;
	s22 =	sshll.u32 s9, $0x1;
	s6 =	sadd.s32 s7, s20  }
0xa3: {  	s10 =	simm.s32 $0x0;
	s21 =	sshll.u32 s8, $0x1;
	s8 =	sadd.s32 s22, s6  }
0xa4: {  	[timem:s10], [sflag:s23] =	dma.local [hbm:s8], s21  }
0xa5: {  	_ =	swait.ge [sflag:s23], s21  }
0xa6: {  	s7 =	ssub.s32 $0x0, s21;
	[sflag:s23] =	ssyncset.done $0x0  }
0xa7: {  	[sflag:s23] =	ssyncadd.s32 s7;
	_ =	sdelay $0x1  }
0xa8: {  	s24 =	simm.s32 $0x1B8B  }
0xa9: {  	_ =	swait.ge [sflag:s24], $0x1  }
0xaa: {  	[sflag:s24] =	ssyncset.done $0x0  }
0xab: {  	s25 =	simm.s32 $0x1B8E;
	[sflag:s24] =	ssyncadd.s32 $0xFFFFFFFF  }
0xac: {  	s26 =	simm.s32 $execute0_lowered;
	[smem:$0x3FD2] =	sst s25  }
0xad: {  	s7 =	sshll.u32 s26, $0x1;
	_ =	strace $0x80000046;
	[dreg:$0x1] =	wrdreg $0xFFFFFFFF  }
0xae: {  	s28 =	simm.s32 $_size_execute0_lowered;
	s6 =	sadd.s32 s6, s7;
	[dreg:$0x0] =	wrdreg $0x0  }
0xaf: {  	s7 =	sshll.u32 s28, $0x1;
	[dreg:$0x2] =	wrdreg s6  }
0xb0: {  	[dreg:$0x3] =	wrdreg s7  }
0xb1: {  	[dreg:$0x4] =	wrdreg $0xC0  }
0xb2: {  	_ =	task [dreg:s10], $0x5FFFF  }
0xb3: {  	[dreg:$0x1] =	wrdreg $0xFFFFFFFF  }
0xb4: {  	[dreg:$0x0] =	wrdreg $0x60  }
0xb5: {  	[dreg:$0x2] =	wrdreg s16  }
0xb6: {  	[dreg:$0x3] =	wrdreg s18  }
0xb7: {  	[dreg:$0x4] =	wrdreg s4  }
0xb8: {  	[dreg:$0x5] =	wrdreg s17  }
0xb9: {  	[dreg:$0x6] =	wrdreg $0x9  }
0xba: {  	_ =	task.clear_ibuf [dreg:s10], $0x7FFFF;
	_ =	strace $0x90000046  }
0xbb: {  	s29 =	simm.s32 $0x9;
	_ =	strace $0x80000048  }
0xbc: {  	_ =	swait.ge [sflag:s29], $0x1  }
0xbd: {  	[sflag:s29] =	ssyncadd.s32 $0xFFFFFFFF  }
0xbe: {  	_ =	strace $0x90000048  }
0xbf: {  	_ =	sfence  }
0xc0: {  	s30 =	sld [smem:$0x0];
	_ =	sdelay $0x2  }
0xc1: {  	s31 =	sshll.u32 s1, $0xD;
	s1 =	sshrl.u32 s1, $0x2  }
0xc2: {  	s3 =	sand.u32 $0x4000, s31;
	s1 =	sadd.s32 s1, s30  }
0xc3: {  	s0 =	sor.u32 s3, s0;
	s1 =	sshll.u32 s1, $0x11  }
0xc4: {  	s0 =	sor.u32 s1, s0  }
0xc5: {  	s0 =	sadd.s32 $0x8F2B, s0  }
0xc6: {  	[sflag:s0] =	ssyncadd.remote.s32 $0x1  }
0xc7: {  	_ =	sfence.sel $0xFFFF  }
0xc8: {  	[dreg:$0x0] =	wrdreg $0xFFFFFFFF;
	(pc) =	sbr.abs _section_cstart, $3  }
0xc9: {  	[dreg:$0x1] =	wrdreg $0xFFFFFFFF  }
0xca: {  	_ =	task.clear_ibuf [dreg:s10], $0x2FFFF;
	_ =	strace $0x9FFFFFFF  }
0xcb: {  	(tm) =	ssettm $0x7FFFFFFF  }
tec
execute0_lowered:
.L_overlay_start_1:
0x0: {  	(tag) =	ssettag $0x1  }
0x1: {  	s0 =	srdreg.scid  }
0x2: {  	s22 =	sand.u32 $0x1, s0;
	s0 =	stileid.u32  }
0x3: {  	s6 =	sor.u32 s0, s22  }
0x4: {  	p0 =	sne.s32 s6, $0x0  }
.Ltmp0:
0x5: {  	s2 =	rddreg [dreg:$0x0];
	(pc) =	sbr.rel @p0 .LBB2_4-.Ltmp0, $4  }
0x6: {  	s3 =	rddreg [dreg:$0x1]  }
0x7: {  	s4 =	rddreg [dreg:$0x2]  }
0x8: {  	s5 =	rddreg [dreg:$0x3]  }
0x9: {  	s1 =	rddreg [dreg:$0x4];
	_ =	strace $0x80000047  }
0xa: {  	s7 =	simm.s32 $0x0;
	s6 =	simm.s32 $0x2  }
0xb: {  	[tilespmem:s7], [sflag:$0x2] =	stream.linear.gather [hbm4b:s3+s7], $0x80, $0x38;
	[tilespmem:$0x4100] =	vst v63  }
0xc: {  	_ =	swait.ge [sflag:s6], $0x80  }
0xd: {  	s8 =	simm.s32 $0x10;
	[sflag:s6] =	ssyncset.done $0x0  }
0xe: {  	s9 =	simm.s32 $0x80;
	s10 =	simm.s32 $0x1;
	[sflag:s6] =	ssyncadd.s32 $0xFFFFFF80  }
0xf: {  	[tilespmem:s9], [sflag:$0x1] =	stream.indirect.gather [hbm4b:s2+s8], $0x1, s7, s8, $0xb8;
	[tilespmem:$0x4100] =	vst v63  }
0x10: {  	_ =	swait.ge [sflag:s10], $0x10  }
0x11: {  	[sflag:s10] =	ssyncset.done $0x0  }
0x12: {  	[sflag:s10] =	ssyncadd.s32 $0xFFFFFFF0  }
0x13: {  	v0 =	vld [tilespmem:$0x80];
	_ =	sdelay $0x4  }
0x14: {  	v1 =	vshll.u32 v0, $0x3  }
0x15: {  	v2 =	vlaneseq.u32;
	v3 =	vand.u32 $0x7, v0;
	v1 =	vand.u32 $0xFFFFFFC0, v1  }
0x16: {  	v4 =	vshrl.u32 v2, $0x3;
	v0 =	vand.u32 $0x7, v2;
	v3 =	vor.u32 v3, v1  }
0x17: {  	v1 =	vmul.u32 $0x8, v4;
	v63 =	vperm.xlane v3, v0;
	_ =	sdelay $0x1  }
0x18: {  	v4 =	vadd.s32 v1, v63;
	_ =	sdelay $0x3  }
0x19: {  	vm0 =	vmmov $0xffff;
	s11 =	simm.s32 $0x100  }
0x1a: {  	v2 =	vor.u32 $0x8, v2;
	[tilespmem:s11], [sflag:$0x1] =	stream.indirect_vreg.gather [hbm4b:s4+s7], $0x80, v4, vm0, $0xb8;
	[tilespmem:$0x4100] =	vst v63  }
0x1b: {  	s12 =	sadd.s32 $0x100, s4;
	s13 =	simm.s32 $0x900;
	v3 =	vperm.xlane v3, v2  }
0x1c: {  	[tilespmem:s13], [sflag:$0x1] =	stream.indirect_vreg.gather [hbm4b:s12+s7], $0x80, v4, vm0, $0xb8;
	[tilespmem:$0x4100] =	vst v63  }
0x1d: {  	s14 =	sadd.s32 $0x200, s4;
	s15 =	simm.s32 $0x1100;
	v3 =	vadd.s32 v1, v3  }
0x1e: {  	[tilespmem:s15], [sflag:$0x1] =	stream.indirect_vreg.gather [hbm4b:s14+s7], $0x80, v4, vm0, $0xb8;
	[tilespmem:$0x4100] =	vst v63  }
0x1f: {  	s16 =	sadd.s32 $0x300, s4;
	s17 =	simm.s32 $0x1900  }
0x20: {  	[tilespmem:s17], [sflag:$0x1] =	stream.indirect_vreg.gather [hbm4b:s16+s7], $0x80, v4, vm0, $0xb8;
	[tilespmem:$0x4100] =	vst v63  }
0x21: {  	s18 =	simm.s32 $0x2100  }
0x22: {  	[tilespmem:s18], [sflag:$0x1] =	stream.indirect_vreg.gather [hbm4b:s4+s7], $0x80, v3, vm0, $0xb8;
	[tilespmem:$0x4100] =	vst v63  }
0x23: {  	s19 =	simm.s32 $0x2900;
	s22 =	ssub.s32 $0x2, s22  }
0x24: {  	[tilespmem:s19], [sflag:$0x1] =	stream.indirect_vreg.gather [hbm4b:s12+s7], $0x80, v3, vm0, $0xb8;
	[tilespmem:$0x4100] =	vst v63  }
0x25: {  	s20 =	simm.s32 $0x3100;
	s23 =	sshrl.u32 s22, $0x1  }
0x26: {  	[tilespmem:s20], [sflag:$0x1] =	stream.indirect_vreg.gather [hbm4b:s14+s7], $0x80, v3, vm0, $0xb8;
	[tilespmem:$0x4100] =	vst v63  }
0x27: {  	s21 =	simm.s32 $0x3900;
	s22 =	ssub.s32 s22, s23  }
0x28: {  	[tilespmem:s21], [sflag:$0x1] =	stream.indirect_vreg.gather [hbm4b:s16+s7], $0x80, v3, vm0, $0xb8;
	[tilespmem:$0x4100] =	vst v63  }
0x29: {  	p0 =	sne.s32 s22, $0x1;
	_ =	swait.ge [sflag:s10], $0x4000  }
.Ltmp1:
0x2a: {  	[sflag:s10] =	ssyncset.done $0x0;
	(pc) =	sbr.rel @!p0 .LBB2_3-.Ltmp1, $4  }
0x2b: {  	[sflag:s10] =	ssyncadd.s32 $0xFFFFC000  }
0x2c: {  	[hbm4b:s5+s7] =	stream.linear.scatter [tilespmem:s11], [sflag:$0x2], $0x4000, $0x38;
	[tilespmem:$0x4100] =	vst v63  }
0x2d: {  	_ =	swait.ge [sflag:s6], $0x4000  }
0x2e: {  	s22 =	sadd.s32 $0xFFFFFFFF, s22;
	[sflag:s6] =	ssyncset.done $0x0  }
.LBB2_2:
0x2f: {  	p0 =	sne.s32 s22, $0x1;
	s22 =	sadd.s32 $0xFFFFFFFF, s22;
	[sflag:s6] =	ssyncadd.s32 $0xFFFFC000  }
0x30: {  	[tilespmem:s7], [sflag:$0x2] =	stream.linear.gather [hbm4b:s3+s7], $0x80, $0x38;
	[tilespmem:$0x4100] =	vst v63  }
0x31: {  	_ =	swait.ge [sflag:s6], $0x80  }
0x32: {  	[sflag:s6] =	ssyncset.done $0x0  }
0x33: {  	[sflag:s6] =	ssyncadd.s32 $0xFFFFFF80  }
0x34: {  	[tilespmem:s9], [sflag:$0x1] =	stream.indirect.gather [hbm4b:s2+s8], $0x1, s7, s8, $0xb8;
	[tilespmem:$0x4100] =	vst v63  }
0x35: {  	_ =	swait.ge [sflag:s10], $0x10  }
0x36: {  	[sflag:s10] =	ssyncset.done $0x0  }
0x37: {  	[sflag:s10] =	ssyncadd.s32 $0xFFFFFFF0  }
0x38: {  	v3 =	vld [tilespmem:$0x80];
	_ =	sdelay $0x4  }
0x39: {  	v4 =	vshll.u32 v3, $0x3  }
0x3a: {  	v3 =	vand.u32 $0x7, v3;
	v4 =	vand.u32 $0xFFFFFFC0, v4  }
0x3b: {  	v3 =	vor.u32 v3, v4  }
0x3c: {  	v4 =	vperm.xlane v3, v0;
	v3 =	vperm.xlane v3, v2;
	_ =	sdelay $0x1  }
0x3d: {  	v4 =	vadd.s32 v1, v4;
	_ =	sdelay $0x4  }
0x3e: {  	[tilespmem:s11], [sflag:$0x1] =	stream.indirect_vreg.gather [hbm4b:s4+s7], $0x80, v4, vm0, $0xb8;
	[tilespmem:$0x4100] =	vst v63  }
0x3f: {  	_ = 	snop  }
0x40: {  	[tilespmem:s13], [sflag:$0x1] =	stream.indirect_vreg.gather [hbm4b:s12+s7], $0x80, v4, vm0, $0xb8;
	[tilespmem:$0x4100] =	vst v63  }
0x41: {  	v3 =	vadd.s32 v1, v3  }
0x42: {  	[tilespmem:s15], [sflag:$0x1] =	stream.indirect_vreg.gather [hbm4b:s14+s7], $0x80, v4, vm0, $0xb8;
	[tilespmem:$0x4100] =	vst v63  }
0x43: {  	_ = 	snop  }
0x44: {  	[tilespmem:s17], [sflag:$0x1] =	stream.indirect_vreg.gather [hbm4b:s16+s7], $0x80, v4, vm0, $0xb8;
	[tilespmem:$0x4100] =	vst v63  }
0x45: {  	_ = 	snop  }
0x46: {  	[tilespmem:s18], [sflag:$0x1] =	stream.indirect_vreg.gather [hbm4b:s4+s7], $0x80, v3, vm0, $0xb8;
	[tilespmem:$0x4100] =	vst v63  }
0x47: {  	_ = 	snop  }
0x48: {  	[tilespmem:s19], [sflag:$0x1] =	stream.indirect_vreg.gather [hbm4b:s12+s7], $0x80, v3, vm0, $0xb8;
	[tilespmem:$0x4100] =	vst v63  }
0x49: {  	_ = 	snop  }
0x4a: {  	[tilespmem:s20], [sflag:$0x1] =	stream.indirect_vreg.gather [hbm4b:s14+s7], $0x80, v3, vm0, $0xb8;
	[tilespmem:$0x4100] =	vst v63  }
0x4b: {  	_ = 	snop  }
0x4c: {  	[tilespmem:s21], [sflag:$0x1] =	stream.indirect_vreg.gather [hbm4b:s16+s7], $0x80, v3, vm0, $0xb8;
	[tilespmem:$0x4100] =	vst v63  }
0x4d: {  	_ =	swait.ge [sflag:s10], $0x4000  }
.Ltmp2:
0x4e: {  	[sflag:s10] =	ssyncset.done $0x0;
	(pc) =	sbr.rel @p0 .LBB2_2-.Ltmp2, $4  }
0x4f: {  	[sflag:s10] =	ssyncadd.s32 $0xFFFFC000  }
0x50: {  	[hbm4b:s5+s7] =	stream.linear.scatter [tilespmem:s11], [sflag:$0x2], $0x4000, $0x38;
	[tilespmem:$0x4100] =	vst v63  }
0x51: {  	_ =	swait.ge [sflag:s6], $0x4000  }
0x52: {  	[sflag:s6] =	ssyncset.done $0x0  }
.LBB2_3:
0x53: {  	[sflag:s6] =	ssyncadd.s32 $0xFFFFC000  }
.LBB2_4:
0x54: {  	_ =	sfence.sel $0x180000  }
0x55: {  	[bflag:$0x0] =	sbarrier.arrive $0xFFFF  }
0x56: {  	p0 =	sne.s32 s0, $0x0;
	_ =	strace $0x90000047  }
0x57: {  	s0 =	sadd.s32 @!p0 $0x100000, s1;
	[bflag:$0x2] =	sbarrier.arrive $0xFFFF  }
0x58: {  	[sflag:s0] =	ssyncadd.tile.s32 @!p0 $0x1;
	_ =	shalt  }
.Lfunc_end2:
_tile_overlayer_lowered:
.L_overlay_start_2:
0x59: {  	(tag) =	ssettag $0x2  }
0x5a: {  	s0 =	rddreg [dreg:$0x0];
	s2 =	stileid.u32  }
0x5b: {  	s1 =	rddreg [dreg:$0x1];
	p0 =	sne.s32 s2, $0x0  }
0x5c: {  	s3 =	rddreg [dreg:$0x2];
	[bflag:$0x3] =	sbarrier.arrive $0xFFFF;
	s2 =	simm.s32 @!p0 $0x1C02  }
0x5d: {  	[timem:s3], [sflag:s2] =	dma.local @!p0 [hbm:s0], s1  }
0x5e: {  	s0 =	simm.s32 @!p0 $0x2  }
0x5f: {  	_ =	swait.ge @!p0 [sflag:s0], s1  }
0x60: {  	s1 =	ssub.s32 @!p0 $0x0, s1;
	[sflag:s0] =	ssyncset.done @!p0 $0x0  }
0x61: {  	[sflag:s0] =	ssyncadd.s32 @!p0 s1  }
0x62: {  	[bflag:$0x3] =	sbarrier.arrive $0xFFFF  }
0x63: {  	_ =	shalt  }

</sc_bundles>
